<compile_context>
chip_gen: v7x
topology: tpu7x:2x2x1
jax: 0.10.2.dev20260603
libtpu: 0.0.44.dev20260713+nightly
codegen_flags: <defaults>
</compile_context>

<pallas_src>
import functools

import jax
import jax.numpy as jnp
from jax import lax
from jax.experimental import pallas as pl
from jax.experimental.pallas import tpu as pltpu
from jax.experimental.pallas import tpu_sc as plsc

_BASE_REF = 1000
_T = 50000
_L = 64
_D = 256
_LANES = 16
_COLB = 128
_SLAB = _L + 8


def _sc_body(off_hbm, tc_hbm, w_hbm, out_hbm, off_v, slab_v, w_v, out_v,
             sem_w, sem_d):
    sid = lax.axis_index("s")
    s = sid % 8
    c = sid // 8
    col = pl.multiple_of(c * _COLB, _COLB)
    row0 = pl.multiple_of(s * 8, 8)

    w_cp = pltpu.make_async_copy(
        w_hbm.at[pl.ds(row0, 8), pl.ds(col, _COLB)], w_v, sem_w)
    w_cp.start()

    pltpu.sync_copy(off_hbm, off_v.at[pl.ds(0, 1)])
    idx = off_v[...][0]
    off = jnp.clip(idx - _BASE_REF, 0, _T - _L)
    base = jnp.minimum((off // 8) * 8, _T - _SLAB)
    base = pl.multiple_of(base, 8)
    rem = off - base

    slab_cp = pltpu.make_async_copy(
        tc_hbm.at[pl.ds(base, _SLAB), pl.ds(col, _COLB)], slab_v, sem_d)
    slab_cp.start()
    slab_cp.wait()

    w_cp.wait()

    def chunk_body(k, _):
        ck = pl.ds(k * _LANES, _LANES)
        acc = jnp.where(rem > 0, slab_v[_L, ck], slab_v[0, ck])

        def edge_body(r, a):
            return a + jnp.where(r < rem, slab_v[_L + r, ck], slab_v[r, ck])

        acc = lax.fori_loop(1, 8, edge_body, acc, unroll=False)

        def row_body(j, accs):
            a0, a1 = accs
            for r in range(0, 14, 2):
                a0 = a0 + slab_v[8 + j * 14 + r, ck]
                a1 = a1 + slab_v[9 + j * 14 + r, ck]
            return a0, a1

        a0, a1 = lax.fori_loop(0, 4, row_body,
                               (acc, jnp.zeros((_LANES,), jnp.float32)),
                               unroll=False)
        acc = a0 + a1

        def mul_body(i, a):
            out_v[i, ck] = w_v[i, ck] * a
            return a

        lax.fori_loop(0, 8, mul_body, acc, unroll=False)
        return 0

    lax.fori_loop(0, _COLB // _LANES, chunk_body, 0, unroll=False)

    pltpu.sync_copy(out_v, out_hbm.at[pl.ds(row0, 8), pl.ds(col, _COLB)])


_sc_call = functools.partial(
    pl.kernel,
    mesh=plsc.VectorSubcoreMesh(core_axis_name="c", subcore_axis_name="s",
                                num_cores=1),
    out_type=jax.ShapeDtypeStruct((_L, _D), jnp.float32),
    scratch_types=[
        pltpu.VMEM((_LANES,), jnp.int32),
        pltpu.VMEM((_SLAB, _COLB), jnp.float32),
        pltpu.VMEM((8, _COLB), jnp.float32),
        pltpu.VMEM((8, _COLB), jnp.float32),
        pltpu.SemaphoreType.DMA,
        pltpu.SemaphoreType.DMA,
    ],
)(_sc_body)


def kernel(index, time_component, W):
    idx1 = jnp.asarray(index, jnp.int32).reshape(1)
    return _sc_call(idx1, time_component, W)

# --- scband reference (transcript-rebuilt; emitter-appended) ---
"""Pipeline reference for scband-kftr-temporal-regulizer-88734024335766 (READ-ONLY COPY).

The authoritative reference and input builder live on the scoring server;
editing this copy changes nothing except your own understanding.
"""

import jax, jax.numpy as jnp
import numpy as np

# Constants derived from init_kwargs
R1 = 1
N_LIST = [50000, 256]
R2 = 1
TIME_IDX = 0
BASE_REF = 1000
LAMBDA_W = 0.01
L = 64
T = 50000
D = 256
LAG_SET = jnp.arange(L, dtype=jnp.int64)  # lag_set_tensor = [0..63]


def setup_inputs(seed: int = 0) -> dict:
    key = jax.random.key(seed)
    k1, k2 = jax.random.split(key)
    # forward args
    index = 2048  # scalar python int, >= BASE_REF so the lag-gather branch is taken
    time_component = jax.random.normal(k1, (T, D), dtype=jnp.float32)
    # learned parameter: W_size = [r_1, L, D, r_2] = [1, 64, 256, 1] -> squeeze -> [64, 256]
    W = jax.random.normal(k2, (L, D), dtype=jnp.float32)
    return {"index": index, "time_component": time_component, "W": W}


def reference(index, time_component, W):
    offset = index - BASE_REF
    lags = LAG_SET + offset  # [L]
    gathered = jnp.take(time_component, lags, axis=TIME_IDX)  # [L, D]
    summed = gathered.sum(axis=TIME_IDX)  # [D]
    return W * summed  # broadcast -> [L, D]

if __name__ == "__main__":
    import jax
    _d = setup_inputs()
    print(jax.jit(kernel)(*tuple(_d.values())))

</pallas_src>

<mosaic_0001>
#map = affine_map<(d0, d1) -> (0)>
#map1 = affine_map<(d0, d1) -> (0, 0)>
module attributes {stable_mosaic.version = 14 : i64} {
  func.func @_sc_body(%arg0: i32, %arg1: i32, %arg2: memref<1xi32, #tpu.memory_space<hbm>>, %arg3: memref<50000x256xf32, #tpu.memory_space<hbm>>, %arg4: memref<64x256xf32, #tpu.memory_space<hbm>>, %arg5: memref<64x256xf32, #tpu.memory_space<hbm>>, %arg6: memref<16xi32, #tpu.memory_space<vmem>>, %arg7: memref<72x128xf32, #tpu.memory_space<vmem>>, %arg8: memref<8x128xf32, #tpu.memory_space<vmem>>, %arg9: memref<8x128xf32, #tpu.memory_space<vmem>>, %arg10: memref<!tpu.dma_semaphore, #tpu.memory_space<semaphore_mem>>, %arg11: memref<!tpu.dma_semaphore, #tpu.memory_space<semaphore_mem>>) attributes {dimension_semantics = [#tpu.dimension_semantics<core_parallel>, #tpu.dimension_semantics<subcore_parallel>], iteration_bounds = array<i64: 1, 16>, scalar_prefetch = 0 : i64, scratch_operands = 6 : i64, tpu.core_type = #tpu.core_type<sc_vector_subcore>, window_params = [{transform_indices = #map}, {transform_indices = #map1}, {transform_indices = #map1}, {transform_indices = #map1}]} {
    %jit3A = arith.constant 8 : i32
    %eq3A = arith.constant 0 : i32
    %eq3A_0 = arith.cmpi eq, %jit3A, %eq3A : i32
    %jit3A_1 = arith.constant 1 : i32
    %select_n3A = arith.select %eq3A_0, %jit3A_1, %jit3A : i32
    %rem3A = arith.remsi %arg1, %select_n3A : i32
    %ne3A = arith.constant 0 : i32
    %ne3A_2 = arith.cmpi ne, %rem3A, %ne3A : i32
    %lt3A = arith.constant 0 : i32
    %lt3A_3 = arith.cmpi slt, %rem3A, %lt3A : i32
    %lt3A_4 = arith.constant 0 : i32
    %lt3A_5 = arith.cmpi slt, %select_n3A, %lt3A_4 : i32
    %ne3A_6 = arith.xori %lt3A_3, %lt3A_5 : i1
    %and3A = arith.andi %ne3A_6, %ne3A_2 : i1
    %add3A = arith.addi %rem3A, %select_n3A : i32
    %select_n3A_7 = arith.select %and3A, %add3A, %rem3A : i32
    %jit3A_8 = arith.constant 8 : i32
    %div3A = arith.divsi %arg1, %jit3A_8 : i32
    %sign3A = arith.constant 0 : i32
    %sign3A_9 = arith.cmpi sgt, %arg1, %sign3A : i32
    %sign3A_10 = arith.extui %sign3A_9 : i1 to i32
    %sign3A_11 = arith.constant 0 : i32
    %sign3A_12 = arith.cmpi slt, %arg1, %sign3A_11 : i32
    %sign3A_13 = arith.extui %sign3A_12 : i1 to i32
    %sign3A_14 = arith.subi %sign3A_10, %sign3A_13 : i32
    %sign3A_15 = arith.constant 0 : i32
    %sign3A_16 = arith.cmpi sgt, %jit3A_8, %sign3A_15 : i32
    %sign3A_17 = arith.extui %sign3A_16 : i1 to i32
    %sign3A_18 = arith.constant 0 : i32
    %sign3A_19 = arith.cmpi slt, %jit3A_8, %sign3A_18 : i32
    %sign3A_20 = arith.extui %sign3A_19 : i1 to i32
    %sign3A_21 = arith.subi %sign3A_17, %sign3A_20 : i32
    %ne3A_22 = arith.cmpi ne, %sign3A_14, %sign3A_21 : i32
    %rem3A_23 = arith.remsi %arg1, %jit3A_8 : i32
    %ne3A_24 = arith.constant 0 : i32
    %ne3A_25 = arith.cmpi ne, %rem3A_23, %ne3A_24 : i32
    %and3A_26 = arith.andi %ne3A_22, %ne3A_25 : i1
    %sub3A = arith.constant 1 : i32
    %sub3A_27 = arith.subi %div3A, %sub3A : i32
    %select_n3A_28 = arith.select %and3A_26, %sub3A_27, %div3A : i32
    %mul3A = arith.constant 128 : i32
    %mul3A_29 = arith.muli %select_n3A_28, %mul3A : i32
    %multiple_of3A = tpu.assume_multiple %mul3A_29, 128 : i32
    %mul3A_30 = arith.constant 8 : i32
    %mul3A_31 = arith.muli %select_n3A_7, %mul3A_30 : i32
    %multiple_of3A_32 = tpu.assume_multiple %mul3A_31, 8 : i32
    %dma_start3A = tpu.memref_slice %arg4[%multiple_of3A_32, %multiple_of3A] : memref<64x256xf32, #tpu.memory_space<hbm>> -> memref<8x128xf32, #tpu.memory_space<hbm>>
    %dma_start3A_33 = tpu.memref_slice %arg4[%multiple_of3A_32, %multiple_of3A] : memref<64x256xf32, #tpu.memory_space<hbm>> -> memref<8x128xf32, #tpu.memory_space<hbm>>
    tpu.enqueue_dma source(%dma_start3A_33 : memref<8x128xf32, #tpu.memory_space<hbm>>) target(%arg8 : memref<8x128xf32, #tpu.memory_space<vmem>>) target_semaphore(%arg10 : memref<!tpu.dma_semaphore, #tpu.memory_space<semaphore_mem>>)
    "tpu.region"() ({
      %run_scoped3A = tpu.sem_alloc : memref<!tpu.dma_semaphore, #tpu.memory_space<semaphore_mem>>
      %dma_start3A_81 = arith.constant 0 : i32
      %dma_start3A_82 = tpu.memref_slice %arg6[%dma_start3A_81] : memref<16xi32, #tpu.memory_space<vmem>> -> memref<1xi32, #tpu.memory_space<vmem>>
      %dma_start3A_83 = arith.constant 0 : i32
      %dma_start3A_84 = tpu.memref_slice %arg6[%dma_start3A_83] : memref<16xi32, #tpu.memory_space<vmem>> -> memref<1xi32, #tpu.memory_space<vmem>>
      tpu.enqueue_dma source(%arg2 : memref<1xi32, #tpu.memory_space<hbm>>) target(%dma_start3A_84 : memref<1xi32, #tpu.memory_space<vmem>>) target_semaphore(%run_scoped3A : memref<!tpu.dma_semaphore, #tpu.memory_space<semaphore_mem>>)
      %dma_wait3A_85 = arith.constant 0 : i32
      %dma_wait3A_86 = tpu.memref_slice %arg6[%dma_wait3A_85] : memref<16xi32, #tpu.memory_space<vmem>> -> memref<1xi32, #tpu.memory_space<vmem>>
      %dma_wait3A_87 = arith.constant 0 : i32
      %dma_wait3A_88 = tpu.memref_slice %arg6[%dma_wait3A_87] : memref<16xi32, #tpu.memory_space<vmem>> -> memref<1xi32, #tpu.memory_space<vmem>>
      tpu.wait_dma2 semaphore(%run_scoped3A : memref<!tpu.dma_semaphore, #tpu.memory_space<semaphore_mem>>) src(%arg2 : memref<1xi32, #tpu.memory_space<hbm>>) dst(%dma_wait3A_88 : memref<1xi32, #tpu.memory_space<vmem>>)
      tpu.yield
    }) : () -> ()
    %get3A = arith.constant 0 : index
    %get3A_34 = tpu.vector_load %arg6[%get3A] {strides = array<i32>} : memref<16xi32, #tpu.memory_space<vmem>>, vector<16xi32>,
    %get3A_35 = vector.shape_cast %get3A_34 : vector<16xi32> to vector<16xi32>
    %slice3A = vector.extract_strided_slice %get3A_35 {offsets = [0], sizes = [1], strides = [1]} : vector<16xi32> to vector<1xi32>
    %squeeze3A = vector.extract %slice3A[0] : i32 from vector<1xi32>
    %sub3A_36 = arith.constant 1000 : i32
    %sub3A_37 = arith.subi %squeeze3A, %sub3A_36 : i32
    %jit3A_38 = arith.constant 0 : i32
    %jit3A_39 = arith.constant 49936 : i32
    %max3A = arith.maxsi %jit3A_38, %sub3A_37 : i32
    %min3A = arith.minsi %jit3A_39, %max3A : i32
    %jit3A_40 = arith.constant 8 : i32
    %div3A_41 = arith.divsi %min3A, %jit3A_40 : i32
    %sign3A_42 = arith.constant 0 : i32
    %sign3A_43 = arith.cmpi sgt, %min3A, %sign3A_42 : i32
    %sign3A_44 = arith.extui %sign3A_43 : i1 to i32
    %sign3A_45 = arith.constant 0 : i32
    %sign3A_46 = arith.cmpi slt, %min3A, %sign3A_45 : i32
    %sign3A_47 = arith.extui %sign3A_46 : i1 to i32
    %sign3A_48 = arith.subi %sign3A_44, %sign3A_47 : i32
    %sign3A_49 = arith.constant 0 : i32
    %sign3A_50 = arith.cmpi sgt, %jit3A_40, %sign3A_49 : i32
    %sign3A_51 = arith.extui %sign3A_50 : i1 to i32
    %sign3A_52 = arith.constant 0 : i32
    %sign3A_53 = arith.cmpi slt, %jit3A_40, %sign3A_52 : i32
    %sign3A_54 = arith.extui %sign3A_53 : i1 to i32
    %sign3A_55 = arith.subi %sign3A_51, %sign3A_54 : i32
    %ne3A_56 = arith.cmpi ne, %sign3A_48, %sign3A_55 : i32
    %rem3A_57 = arith.remsi %min3A, %jit3A_40 : i32
    %ne3A_58 = arith.constant 0 : i32
    %ne3A_59 = arith.cmpi ne, %rem3A_57, %ne3A_58 : i32
    %and3A_60 = arith.andi %ne3A_56, %ne3A_59 : i1
    %sub3A_61 = arith.constant 1 : i32
    %sub3A_62 = arith.subi %div3A_41, %sub3A_61 : i32
    %select_n3A_63 = arith.select %and3A_60, %sub3A_62, %div3A_41 : i32
    %mul3A_64 = arith.constant 8 : i32
    %mul3A_65 = arith.muli %select_n3A_63, %mul3A_64 : i32
    %min3A_66 = arith.constant 49928 : i32
    %min3A_67 = arith.minsi %mul3A_65, %min3A_66 : i32
    %multiple_of3A_68 = tpu.assume_multiple %min3A_67, 8 : i32
    %sub3A_69 = arith.subi %min3A, %multiple_of3A_68 : i32
    %dma_start3A_70 = tpu.memref_slice %arg3[%multiple_of3A_68, %multiple_of3A] : memref<50000x256xf32, #tpu.memory_space<hbm>> -> memref<72x128xf32, #tpu.memory_space<hbm>>
    %dma_start3A_71 = tpu.memref_slice %arg3[%multiple_of3A_68, %multiple_of3A] : memref<50000x256xf32, #tpu.memory_space<hbm>> -> memref<72x128xf32, #tpu.memory_space<hbm>>
    tpu.enqueue_dma source(%dma_start3A_71 : memref<72x128xf32, #tpu.memory_space<hbm>>) target(%arg7 : memref<72x128xf32, #tpu.memory_space<vmem>>) target_semaphore(%arg11 : memref<!tpu.dma_semaphore, #tpu.memory_space<semaphore_mem>>)
    %dma_wait3A = tpu.memref_slice %arg3[%multiple_of3A_68, %multiple_of3A] : memref<50000x256xf32, #tpu.memory_space<hbm>> -> memref<72x128xf32, #tpu.memory_space<hbm>>
    %dma_wait3A_72 = tpu.memref_slice %arg3[%multiple_of3A_68, %multiple_of3A] : memref<50000x256xf32, #tpu.memory_space<hbm>> -> memref<72x128xf32, #tpu.memory_space<hbm>>
    tpu.wait_dma2 semaphore(%arg11 : memref<!tpu.dma_semaphore, #tpu.memory_space<semaphore_mem>>) src(%dma_wait3A_72 : memref<72x128xf32, #tpu.memory_space<hbm>>) dst(%arg7 : memref<72x128xf32, #tpu.memory_space<vmem>>)
    %dma_wait3A_73 = tpu.memref_slice %arg4[%multiple_of3A_32, %multiple_of3A] : memref<64x256xf32, #tpu.memory_space<hbm>> -> memref<8x128xf32, #tpu.memory_space<hbm>>
    %dma_wait3A_74 = tpu.memref_slice %arg4[%multiple_of3A_32, %multiple_of3A] : memref<64x256xf32, #tpu.memory_space<hbm>> -> memref<8x128xf32, #tpu.memory_space<hbm>>
    tpu.wait_dma2 semaphore(%arg10 : memref<!tpu.dma_semaphore, #tpu.memory_space<semaphore_mem>>) src(%dma_wait3A_74 : memref<8x128xf32, #tpu.memory_space<hbm>>) dst(%arg8 : memref<8x128xf32, #tpu.memory_space<vmem>>)
    %scan3A = arith.constant 0 : i32
    %scan3A_75 = arith.constant 0 : i32
    %scan3A_76 = arith.constant 8 : i32
    %scan3A_77 = arith.addi %scan3A_75, %scan3A_76 : i32
    %scan3A_78 = arith.constant 1 : i32
    %scan3A_79 = scf.for %scan3A_81 = %scan3A_75 to %scan3A_77 step %scan3A_78 iter_args(%scan3A_82 = %scan3A) -> (i32)  : i32 {
      %mul3A_83 = arith.constant 16 : i32
      %mul3A_84 = arith.muli %scan3A_81, %mul3A_83 : i32
      %gt3A = arith.constant 0 : i32
      %gt3A_85 = arith.cmpi sgt, %sub3A_69, %gt3A : i32
      %get3A_86 = arith.constant 64 : i32
      %get3A_87 = arith.index_cast %get3A_86 : i32 to index
      %get3A_88 = arith.index_cast %mul3A_84 : i32 to index
      %get3A_89 = tpu.vector_load %arg7[%get3A_87, %get3A_88] {strides = array<i32>} : memref<72x128xf32, #tpu.memory_space<vmem>>, vector<1x16xf32>,
      %get3A_90 = vector.shape_cast %get3A_89 : vector<1x16xf32> to vector<16xf32>
      %get3A_91 = arith.constant 0 : i32
      %get3A_92 = arith.index_cast %get3A_91 : i32 to index
      %get3A_93 = arith.index_cast %mul3A_84 : i32 to index
      %get3A_94 = tpu.vector_load %arg7[%get3A_92, %get3A_93] {strides = array<i32>} : memref<72x128xf32, #tpu.memory_space<vmem>>, vector<1x16xf32>,
      %get3A_95 = vector.shape_cast %get3A_94 : vector<1x16xf32> to vector<16xf32>
      %select_n3A_96 = arith.select %gt3A_85, %get3A_90, %get3A_95 : vector<16xf32>
      %scan3A_97 = arith.constant 1 : i32
      %scan3A_98 = arith.constant 7 : i32
      %scan3A_99 = arith.addi %scan3A_97, %scan3A_98 : i32
      %scan3A_100 = arith.constant 1 : i32
      %scan3A_101 = scf.for %scan3A_117 = %scan3A_97 to %scan3A_99 step %scan3A_100 iter_args(%scan3A_118 = %select_n3A_96) -> (vector<16xf32>)  : i32 {
        %lt3A_119 = arith.cmpi slt, %scan3A_117, %sub3A_69 : i32
        %add3A_120 = arith.constant 64 : i32
        %add3A_121 = arith.addi %add3A_120, %scan3A_117 : i32
        %get3A_122 = arith.index_cast %add3A_121 : i32 to index
        %get3A_123 = arith.index_cast %mul3A_84 : i32 to index
        %get3A_124 = tpu.vector_load %arg7[%get3A_122, %get3A_123] {strides = array<i32>} : memref<72x128xf32, #tpu.memory_space<vmem>>, vector<1x16xf32>,
        %get3A_125 = vector.shape_cast %get3A_124 : vector<1x16xf32> to vector<16xf32>
        %get3A_126 = arith.index_cast %scan3A_117 : i32 to index
        %get3A_127 = arith.index_cast %mul3A_84 : i32 to index
        %get3A_128 = tpu.vector_load %arg7[%get3A_126, %get3A_127] {strides = array<i32>} : memref<72x128xf32, #tpu.memory_space<vmem>>, vector<1x16xf32>,
        %get3A_129 = vector.shape_cast %get3A_128 : vector<1x16xf32> to vector<16xf32>
        %select_n3A_130 = arith.select %lt3A_119, %get3A_125, %get3A_129 : vector<16xf32>
        %add3A_131 = arith.addf %scan3A_118, %select_n3A_130 : vector<16xf32>
        scf.yield %add3A_131 : vector<16xf32>
      }
      %scan3A_102 = arith.constant 7 : i32
      %broadcast_in_dim3A = arith.constant 0.000000e+00 : f32
      %broadcast_in_dim3A_103 = vector.broadcast %broadcast_in_dim3A : f32 to vector<16xf32>
      %scan3A_104 = arith.constant 0 : i32
      %scan3A_105 = arith.constant 4 : i32
      %scan3A_106 = arith.addi %scan3A_104, %scan3A_105 : i32
      %scan3A_107 = arith.constant 1 : i32
      %scan3A_108:2 = scf.for %scan3A_117 = %scan3A_104 to %scan3A_106 step %scan3A_107 iter_args(%scan3A_118 = %scan3A_101, %scan3A_119 = %broadcast_in_dim3A_103) -> (vector<16xf32>, vector<16xf32>)  : i32 {
        %mul3A_120 = arith.constant 14 : i32
        %mul3A_121 = arith.muli %scan3A_117, %mul3A_120 : i32
        %add3A_122 = arith.constant 8 : i32
        %add3A_123 = arith.addi %add3A_122, %mul3A_121 : i32
        %add3A_124 = arith.constant 0 : i32
        %add3A_125 = arith.addi %add3A_123, %add3A_124 : i32
        %get3A_126 = arith.index_cast %add3A_125 : i32 to index
        %get3A_127 = arith.index_cast %mul3A_84 : i32 to index
        %get3A_128 = tpu.vector_load %arg7[%get3A_126, %get3A_127] {strides = array<i32>} : memref<72x128xf32, #tpu.memory_space<vmem>>, vector<1x16xf32>,
        %get3A_129 = vector.shape_cast %get3A_128 : vector<1x16xf32> to vector<16xf32>
        %add3A_130 = arith.addf %scan3A_118, %get3A_129 : vector<16xf32>
        %mul3A_131 = arith.constant 14 : i32
        %mul3A_132 = arith.muli %scan3A_117, %mul3A_131 : i32
        %add3A_133 = arith.constant 9 : i32
        %add3A_134 = arith.addi %add3A_133, %mul3A_132 : i32
        %add3A_135 = arith.constant 0 : i32
        %add3A_136 = arith.addi %add3A_134, %add3A_135 : i32
        %get3A_137 = arith.index_cast %add3A_136 : i32 to index
        %get3A_138 = arith.index_cast %mul3A_84 : i32 to index
        %get3A_139 = tpu.vector_load %arg7[%get3A_137, %get3A_138] {strides = array<i32>} : memref<72x128xf32, #tpu.memory_space<vmem>>, vector<1x16xf32>,
        %get3A_140 = vector.shape_cast %get3A_139 : vector<1x16xf32> to vector<16xf32>
        %add3A_141 = arith.addf %scan3A_119, %get3A_140 : vector<16xf32>
        %mul3A_142 = arith.constant 14 : i32
        %mul3A_143 = arith.muli %scan3A_117, %mul3A_142 : i32
        %add3A_144 = arith.constant 8 : i32
        %add3A_145 = arith.addi %add3A_144, %mul3A_143 : i32
        %add3A_146 = arith.constant 2 : i32
        %add3A_147 = arith.addi %add3A_145, %add3A_146 : i32
        %get3A_148 = arith.index_cast %add3A_147 : i32 to index
        %get3A_149 = arith.index_cast %mul3A_84 : i32 to index
        %get3A_150 = tpu.vector_load %arg7[%get3A_148, %get3A_149] {strides = array<i32>} : memref<72x128xf32, #tpu.memory_space<vmem>>, vector<1x16xf32>,
        %get3A_151 = vector.shape_cast %get3A_150 : vector<1x16xf32> to vector<16xf32>
        %add3A_152 = arith.addf %add3A_130, %get3A_151 : vector<16xf32>
        %mul3A_153 = arith.constant 14 : i32
        %mul3A_154 = arith.muli %scan3A_117, %mul3A_153 : i32
        %add3A_155 = arith.constant 9 : i32
        %add3A_156 = arith.addi %add3A_155, %mul3A_154 : i32
        %add3A_157 = arith.constant 2 : i32
        %add3A_158 = arith.addi %add3A_156, %add3A_157 : i32
        %get3A_159 = arith.index_cast %add3A_158 : i32 to index
        %get3A_160 = arith.index_cast %mul3A_84 : i32 to index
        %get3A_161 = tpu.vector_load %arg7[%get3A_159, %get3A_160] {strides = array<i32>} : memref<72x128xf32, #tpu.memory_space<vmem>>, vector<1x16xf32>,
        %get3A_162 = vector.shape_cast %get3A_161 : vector<1x16xf32> to vector<16xf32>
        %add3A_163 = arith.addf %add3A_141, %get3A_162 : vector<16xf32>
        %mul3A_164 = arith.constant 14 : i32
        %mul3A_165 = arith.muli %scan3A_117, %mul3A_164 : i32
        %add3A_166 = arith.constant 8 : i32
        %add3A_167 = arith.addi %add3A_166, %mul3A_165 : i32
        %add3A_168 = arith.constant 4 : i32
        %add3A_169 = arith.addi %add3A_167, %add3A_168 : i32
        %get3A_170 = arith.index_cast %add3A_169 : i32 to index
        %get3A_171 = arith.index_cast %mul3A_84 : i32 to index
        %get3A_172 = tpu.vector_load %arg7[%get3A_170, %get3A_171] {strides = array<i32>} : memref<72x128xf32, #tpu.memory_space<vmem>>, vector<1x16xf32>,
        %get3A_173 = vector.shape_cast %get3A_172 : vector<1x16xf32> to vector<16xf32>
        %add3A_174 = arith.addf %add3A_152, %get3A_173 : vector<16xf32>
        %mul3A_175 = arith.constant 14 : i32
        %mul3A_176 = arith.muli %scan3A_117, %mul3A_175 : i32
        %add3A_177 = arith.constant 9 : i32
        %add3A_178 = arith.addi %add3A_177, %mul3A_176 : i32
        %add3A_179 = arith.constant 4 : i32
        %add3A_180 = arith.addi %add3A_178, %add3A_179 : i32
        %get3A_181 = arith.index_cast %add3A_180 : i32 to index
        %get3A_182 = arith.index_cast %mul3A_84 : i32 to index
        %get3A_183 = tpu.vector_load %arg7[%get3A_181, %get3A_182] {strides = array<i32>} : memref<72x128xf32, #tpu.memory_space<vmem>>, vector<1x16xf32>,
        %get3A_184 = vector.shape_cast %get3A_183 : vector<1x16xf32> to vector<16xf32>
        %add3A_185 = arith.addf %add3A_163, %get3A_184 : vector<16xf32>
        %mul3A_186 = arith.constant 14 : i32
        %mul3A_187 = arith.muli %scan3A_117, %mul3A_186 : i32
        %add3A_188 = arith.constant 8 : i32
        %add3A_189 = arith.addi %add3A_188, %mul3A_187 : i32
        %add3A_190 = arith.constant 6 : i32
        %add3A_191 = arith.addi %add3A_189, %add3A_190 : i32
        %get3A_192 = arith.index_cast %add3A_191 : i32 to index
        %get3A_193 = arith.index_cast %mul3A_84 : i32 to index
        %get3A_194 = tpu.vector_load %arg7[%get3A_192, %get3A_193] {strides = array<i32>} : memref<72x128xf32, #tpu.memory_space<vmem>>, vector<1x16xf32>,
        %get3A_195 = vector.shape_cast %get3A_194 : vector<1x16xf32> to vector<16xf32>
        %add3A_196 = arith.addf %add3A_174, %get3A_195 : vector<16xf32>
        %mul3A_197 = arith.constant 14 : i32
        %mul3A_198 = arith.muli %scan3A_117, %mul3A_197 : i32
        %add3A_199 = arith.constant 9 : i32
        %add3A_200 = arith.addi %add3A_199, %mul3A_198 : i32
        %add3A_201 = arith.constant 6 : i32
        %add3A_202 = arith.addi %add3A_200, %add3A_201 : i32
        %get3A_203 = arith.index_cast %add3A_202 : i32 to index
        %get3A_204 = arith.index_cast %mul3A_84 : i32 to index
        %get3A_205 = tpu.vector_load %arg7[%get3A_203, %get3A_204] {strides = array<i32>} : memref<72x128xf32, #tpu.memory_space<vmem>>, vector<1x16xf32>,
        %get3A_206 = vector.shape_cast %get3A_205 : vector<1x16xf32> to vector<16xf32>
        %add3A_207 = arith.addf %add3A_185, %get3A_206 : vector<16xf32>
        %mul3A_208 = arith.constant 14 : i32
        %mul3A_209 = arith.muli %scan3A_117, %mul3A_208 : i32
        %add3A_210 = arith.constant 8 : i32
        %add3A_211 = arith.addi %add3A_210, %mul3A_209 : i32
        %add3A_212 = arith.constant 8 : i32
        %add3A_213 = arith.addi %add3A_211, %add3A_212 : i32
        %get3A_214 = arith.index_cast %add3A_213 : i32 to index
        %get3A_215 = arith.index_cast %mul3A_84 : i32 to index
        %get3A_216 = tpu.vector_load %arg7[%get3A_214, %get3A_215] {strides = array<i32>} : memref<72x128xf32, #tpu.memory_space<vmem>>, vector<1x16xf32>,
        %get3A_217 = vector.shape_cast %get3A_216 : vector<1x16xf32> to vector<16xf32>
        %add3A_218 = arith.addf %add3A_196, %get3A_217 : vector<16xf32>
        %mul3A_219 = arith.constant 14 : i32
        %mul3A_220 = arith.muli %scan3A_117, %mul3A_219 : i32
        %add3A_221 = arith.constant 9 : i32
        %add3A_222 = arith.addi %add3A_221, %mul3A_220 : i32
        %add3A_223 = arith.constant 8 : i32
        %add3A_224 = arith.addi %add3A_222, %add3A_223 : i32
        %get3A_225 = arith.index_cast %add3A_224 : i32 to index
        %get3A_226 = arith.index_cast %mul3A_84 : i32 to index
        %get3A_227 = tpu.vector_load %arg7[%get3A_225, %get3A_226] {strides = array<i32>} : memref<72x128xf32, #tpu.memory_space<vmem>>, vector<1x16xf32>,
        %get3A_228 = vector.shape_cast %get3A_227 : vector<1x16xf32> to vector<16xf32>
        %add3A_229 = arith.addf %add3A_207, %get3A_228 : vector<16xf32>
        %mul3A_230 = arith.constant 14 : i32
        %mul3A_231 = arith.muli %scan3A_117, %mul3A_230 : i32
        %add3A_232 = arith.constant 8 : i32
        %add3A_233 = arith.addi %add3A_232, %mul3A_231 : i32
        %add3A_234 = arith.constant 10 : i32
        %add3A_235 = arith.addi %add3A_233, %add3A_234 : i32
        %get3A_236 = arith.index_cast %add3A_235 : i32 to index
        %get3A_237 = arith.index_cast %mul3A_84 : i32 to index
        %get3A_238 = tpu.vector_load %arg7[%get3A_236, %get3A_237] {strides = array<i32>} : memref<72x128xf32, #tpu.memory_space<vmem>>, vector<1x16xf32>,
        %get3A_239 = vector.shape_cast %get3A_238 : vector<1x16xf32> to vector<16xf32>
        %add3A_240 = arith.addf %add3A_218, %get3A_239 : vector<16xf32>
        %mul3A_241 = arith.constant 14 : i32
        %mul3A_242 = arith.muli %scan3A_117, %mul3A_241 : i32
        %add3A_243 = arith.constant 9 : i32
        %add3A_244 = arith.addi %add3A_243, %mul3A_242 : i32
        %add3A_245 = arith.constant 10 : i32
        %add3A_246 = arith.addi %add3A_244, %add3A_245 : i32
        %get3A_247 = arith.index_cast %add3A_246 : i32 to index
        %get3A_248 = arith.index_cast %mul3A_84 : i32 to index
        %get3A_249 = tpu.vector_load %arg7[%get3A_247, %get3A_248] {strides = array<i32>} : memref<72x128xf32, #tpu.memory_space<vmem>>, vector<1x16xf32>,
        %get3A_250 = vector.shape_cast %get3A_249 : vector<1x16xf32> to vector<16xf32>
        %add3A_251 = arith.addf %add3A_229, %get3A_250 : vector<16xf32>
        %mul3A_252 = arith.constant 14 : i32
        %mul3A_253 = arith.muli %scan3A_117, %mul3A_252 : i32
        %add3A_254 = arith.constant 8 : i32
        %add3A_255 = arith.addi %add3A_254, %mul3A_253 : i32
        %add3A_256 = arith.constant 12 : i32
        %add3A_257 = arith.addi %add3A_255, %add3A_256 : i32
        %get3A_258 = arith.index_cast %add3A_257 : i32 to index
        %get3A_259 = arith.index_cast %mul3A_84 : i32 to index
        %get3A_260 = tpu.vector_load %arg7[%get3A_258, %get3A_259] {strides = array<i32>} : memref<72x128xf32, #tpu.memory_space<vmem>>, vector<1x16xf32>,
        %get3A_261 = vector.shape_cast %get3A_260 : vector<1x16xf32> to vector<16xf32>
        %add3A_262 = arith.addf %add3A_240, %get3A_261 : vector<16xf32>
        %mul3A_263 = arith.constant 14 : i32
        %mul3A_264 = arith.muli %scan3A_117, %mul3A_263 : i32
        %add3A_265 = arith.constant 9 : i32
        %add3A_266 = arith.addi %add3A_265, %mul3A_264 : i32
        %add3A_267 = arith.constant 12 : i32
        %add3A_268 = arith.addi %add3A_266, %add3A_267 : i32
        %get3A_269 = arith.index_cast %add3A_268 : i32 to index
        %get3A_270 = arith.index_cast %mul3A_84 : i32 to index
        %get3A_271 = tpu.vector_load %arg7[%get3A_269, %get3A_270] {strides = array<i32>} : memref<72x128xf32, #tpu.memory_space<vmem>>, vector<1x16xf32>,
        %get3A_272 = vector.shape_cast %get3A_271 : vector<1x16xf32> to vector<16xf32>
        %add3A_273 = arith.addf %add3A_251, %get3A_272 : vector<16xf32>
        scf.yield %add3A_262, %add3A_273 : vector<16xf32>, vector<16xf32>
      }
      %scan3A_109 = arith.constant 4 : i32
      %add3A_110 = arith.addf %scan3A_108#0, %scan3A_108#1 : vector<16xf32>
      %scan3A_111 = arith.constant 0 : i32
      %scan3A_112 = arith.constant 8 : i32
      %scan3A_113 = arith.addi %scan3A_111, %scan3A_112 : i32
      %scan3A_114 = arith.constant 1 : i32
      scf.for %scan3A_117 = %scan3A_111 to %scan3A_113 step %scan3A_114  : i32 {
        %get3A_118 = arith.index_cast %scan3A_117 : i32 to index
        %get3A_119 = arith.index_cast %mul3A_84 : i32 to index
        %get3A_120 = tpu.vector_load %arg8[%get3A_118, %get3A_119] {strides = array<i32>} : memref<8x128xf32, #tpu.memory_space<vmem>>, vector<1x16xf32>,
        %get3A_121 = vector.shape_cast %get3A_120 : vector<1x16xf32> to vector<16xf32>
        %mul3A_122 = arith.mulf %get3A_121, %add3A_110 : vector<16xf32>
        %swap3A = arith.index_cast %scan3A_117 : i32 to index
        %swap3A_123 = arith.index_cast %mul3A_84 : i32 to index
        %swap3A_124 = tpu.vector_load %arg9[%swap3A, %swap3A_123] {strides = array<i32>} : memref<8x128xf32, #tpu.memory_space<vmem>>, vector<1x16xf32>,
        %swap3A_125 = vector.shape_cast %swap3A_124 : vector<1x16xf32> to vector<16xf32>
        %swap3A_126 = vector.shape_cast %mul3A_122 : vector<16xf32> to vector<1x16xf32>
        tpu.vector_store %arg9[%swap3A, %swap3A_123], %swap3A_126 {strides = array<i32>} : memref<8x128xf32, #tpu.memory_space<vmem>>, vector<1x16xf32>,
      }
      %scan3A_115 = arith.constant 8 : i32
      %scan3A_116 = arith.constant 0 : i32
      scf.yield %scan3A_116 : i32
    }
    %scan3A_80 = arith.constant 8 : i32
    "tpu.region"() ({
      %run_scoped3A = tpu.sem_alloc : memref<!tpu.dma_semaphore, #tpu.memory_space<semaphore_mem>>
      %dma_start3A_81 = tpu.memref_slice %arg5[%multiple_of3A_32, %multiple_of3A] : memref<64x256xf32, #tpu.memory_space<hbm>> -> memref<8x128xf32, #tpu.memory_space<hbm>>
      %dma_start3A_82 = tpu.memref_slice %arg5[%multiple_of3A_32, %multiple_of3A] : memref<64x256xf32, #tpu.memory_space<hbm>> -> memref<8x128xf32, #tpu.memory_space<hbm>>
      tpu.enqueue_dma source(%arg9 : memref<8x128xf32, #tpu.memory_space<vmem>>) target(%dma_start3A_82 : memref<8x128xf32, #tpu.memory_space<hbm>>) target_semaphore(%run_scoped3A : memref<!tpu.dma_semaphore, #tpu.memory_space<semaphore_mem>>)
      %dma_wait3A_83 = tpu.memref_slice %arg5[%multiple_of3A_32, %multiple_of3A] : memref<64x256xf32, #tpu.memory_space<hbm>> -> memref<8x128xf32, #tpu.memory_space<hbm>>
      %dma_wait3A_84 = tpu.memref_slice %arg5[%multiple_of3A_32, %multiple_of3A] : memref<64x256xf32, #tpu.memory_space<hbm>> -> memref<8x128xf32, #tpu.memory_space<hbm>>
      tpu.wait_dma2 semaphore(%run_scoped3A : memref<!tpu.dma_semaphore, #tpu.memory_space<semaphore_mem>>) src(%arg9 : memref<8x128xf32, #tpu.memory_space<vmem>>) dst(%dma_wait3A_84 : memref<8x128xf32, #tpu.memory_space<hbm>>)
      tpu.yield
    }) : () -> ()
    return
  }
}

</mosaic_0001>

<sc_bundles>
// kernel: kernel.3.cloned.1.call-start
scs
__scs_entry_jumppad:
0x0: {  	(pc) =	sbr.rel $0x88, $3  }
0x1: {  	(tag) =	ssettag $0x0;
	lr =	simm.s32 $0x1  }
0x2: {  	[smem:$0x3F9E] =	sst lr;
	_ =	strace $0xD0000000  }
0x3: {  	_ = 	snop  }
0x4: {  	_ = 	snop  }
0x5: {  	_ = 	snop  }
0x6: {  	_ = 	snop  }
0x7: {  	_ = 	snop  }
__scs_overlays_trampoline_lowered:
0x8: {  	[smem:$0x3FAD] =	sst s0  }
0x9: {  	[smem:$0x3FAE] =	sst s1  }
0xa: {  	[smem:$0x3FAF] =	sst s2  }
0xb: {  	[smem:$0x3FB0] =	sst s3  }
0xc: {  	[smem:$0x3FB1] =	sst s4  }
0xd: {  	[smem:$0x3FB2] =	sst s5  }
0xe: {  	[smem:$0x3FB3] =	sst s6  }
0xf: {  	[smem:$0x3FB4] =	sst s7  }
0x10: {  	[smem:$0x3FB5] =	sst s8  }
0x11: {  	[smem:$0x3FB6] =	sst s9;
	s0 =	simm.s32 @!p0 $0x0  }
0x12: {  	s1 =	sld [smem:$0x3F9C];
	s0 =	simm.s32 @p0 $0x1  }
0x13: {  	[smem:$0x3FB7] =	sst s0;
	s0 =	simm.s32 @!p1 $0x0  }
0x14: {  	s2 =	sld [smem:$0x3F9B];
	s0 =	simm.s32 @p1 $0x1  }
0x15: {  	[smem:$0x3FB8] =	sst s0;
	s0 =	simm.s32 @!p2 $0x0  }
0x16: {  	s3 =	sld [smem:$0x3FDB];
	s0 =	simm.s32 @p2 $0x1  }
0x17: {  	s4 =	simm.s32 $0x1BF5;
	[smem:$0x3FBA] =	sst s0  }
0x18: {  	s0 =	sld [smem:$0x3F9D];
	_ =	swait.ge [sflag:s4], $0x0  }
0x19: {  	s7 =	sld [smem:$0x3F9E]  }
0x1a: {  	s8 =	sadd.s32 $0xFFFFE003, lr  }
0x1b: {  	s9 =	sadd.s32 $0xFFFFFEF7, lr;
	s5 =	simm.s32 $0xFFFFFFFF;
	p2 =	slt.u32 s8, $0xFFFFF086  }
0x1c: {  	p1 =	slt.u32 s9, $0xF7A;
	s5 =	simm.s32 @!p2 $0x0  }
0x1d: {  	s5 =	simm.s32 @p1 $0x1;
	p0 =	seq.s32 s7, s2  }
0x1e: {  	s7 =	smul.u32 @!p0 $0xF7A, s2;
	p2 =	seq.s32 @!p0 s5, $0x0  }
0x1f: {  	s9 =	smul.u32 $0xF7A, s1;
	s8 =	simm.s32 @!p0 $0x1BF5;
	p2 =	por !p2, p0  }
0x20: {  	[sflag:s8] =	ssyncset.s32 @!p0 $0xFFFFF086;
	s6 =	sadd.s32 @!p0 s3, s7;
	s7 =	simm.s32 @!p0 $0x108  }
0x21: {  	s3 =	sadd.s32 s3, s9;
	s6 =	sadd.s32 @!p0 $0x88, s6;
	s7 =	simm.s32 @p2 $0x1082  }
0x22: {  	[simem:s7], [sflag:s8] =	dma.local @!p0 [hbm:s6], $0xF7A  }
0x23: {  	s9 =	sor.u32 $0xD0000000, s2;
	s6 =	simm.s32 $0x108;
	_ =	swait.ge @!p0 [sflag:s8], $0x0  }
0x24: {  	s3 =	sadd.s32 $0x88, s3;
	s6 =	simm.s32 @!p1 $0x1082;
	[sflag:s4] =	ssyncset.s32 $0xFFFFF086  }
0x25: {  	[simem:s6], [sflag:s4] =	dma.local [hbm:s3], $0xF7A  }
0x26: {  	[smem:$0x3F9E] =	sst s1;
	(tag) =	ssettag s2;
	_ =	strace s9  }
0x27: {  	s1 =	sld [smem:$0x3FAE]  }
0x28: {  	s2 =	sld [smem:$0x3FAF]  }
0x29: {  	s4 =	sld [smem:$0x3FB1]  }
0x2a: {  	p0 =	seq.s32 s5, $0x0;
	s5 =	sld [smem:$0x3FB2]  }
0x2b: {  	s6 =	sld [smem:$0x3FB3]  }
0x2c: {  	s7 =	sld [smem:$0x3FB4]  }
0x2d: {  	s3 =	simm.s32 $0x108;
	s8 =	sld [smem:$0x3FB5]  }
0x2e: {  	s3 =	simm.s32 @!p0 $0x1082;
	s9 =	sld [smem:$0x3FB6]  }
0x2f: {  	lr =	sadd.s32 s0, s3;
	s0 =	sld [smem:$0x3FAD]  }
0x30: {  	s3 =	sld [smem:$0x3FB0]  }
0x31: {  	[smem:$0x3FB9] =	sst s10  }
0x32: {  	s10 =	sld [smem:$0x3FB7];
	_ =	sdelay $0x3  }
0x33: {  	p0 =	seq.s32 s10, $0x1;
	s10 =	sld [smem:$0x3FB9];
	_ =	sdelay $0x3  }
0x34: {  	[smem:$0x3FB9] =	sst s10  }
0x35: {  	s10 =	sld [smem:$0x3FB8];
	_ =	sdelay $0x3  }
0x36: {  	p1 =	seq.s32 s10, $0x1;
	s10 =	sld [smem:$0x3FB9];
	_ =	sdelay $0x3  }
0x37: {  	[smem:$0x3FB9] =	sst s10  }
0x38: {  	s10 =	sld [smem:$0x3FBA]  }
0x39: {  	_ = 	snop;
	(pc) =	sbr.ind lr, $3  }
0x3a: {  	_ = 	snop  }
0x3b: {  	_ = 	snop  }
0x3c: {  	p2 =	seq.s32 s10, $0x1;
	s10 =	sld [smem:$0x3FB9]  }
0x3d: {  	_ =	shalt  }
0x3e: {  	_ =	shalt  }
0x3f: {  	_ =	shalt  }
0x40: {  	_ =	shalt  }
0x41: {  	_ =	shalt  }
0x42: {  	_ =	shalt  }
0x43: {  	_ =	shalt  }
0x44: {  	_ =	shalt  }
0x45: {  	_ =	shalt  }
0x46: {  	_ =	shalt  }
0x47: {  	_ =	shalt  }
0x48: {  	_ =	shalt  }
0x49: {  	_ =	shalt  }
0x4a: {  	_ =	shalt  }
0x4b: {  	_ =	shalt  }
0x4c: {  	_ =	shalt  }
0x4d: {  	_ =	shalt  }
0x4e: {  	_ =	shalt  }
0x4f: {  	_ =	shalt  }
0x50: {  	_ =	shalt  }
0x51: {  	_ =	shalt  }
0x52: {  	_ =	shalt  }
0x53: {  	_ =	shalt  }
0x54: {  	_ =	shalt  }
0x55: {  	_ =	shalt  }
0x56: {  	_ =	shalt  }
0x57: {  	_ =	shalt  }
0x58: {  	_ =	shalt  }
0x59: {  	_ =	shalt  }
0x5a: {  	_ =	shalt  }
0x5b: {  	_ =	shalt  }
0x5c: {  	_ =	shalt  }
0x5d: {  	_ =	shalt  }
0x5e: {  	_ =	shalt  }
0x5f: {  	_ =	shalt  }
0x60: {  	_ =	shalt  }
0x61: {  	_ =	shalt  }
0x62: {  	_ =	shalt  }
0x63: {  	_ =	shalt  }
0x64: {  	_ =	shalt  }
0x65: {  	_ =	shalt  }
0x66: {  	_ =	shalt  }
0x67: {  	_ =	shalt  }
0x68: {  	_ =	shalt  }
0x69: {  	_ =	shalt  }
0x6a: {  	_ =	shalt  }
0x6b: {  	_ =	shalt  }
0x6c: {  	_ =	shalt  }
0x6d: {  	_ =	shalt  }
0x6e: {  	_ =	shalt  }
0x6f: {  	_ =	shalt  }
0x70: {  	_ =	shalt  }
0x71: {  	_ =	shalt  }
0x72: {  	_ =	shalt  }
0x73: {  	_ =	shalt  }
0x74: {  	_ =	shalt  }
0x75: {  	_ =	shalt  }
0x76: {  	_ =	shalt  }
0x77: {  	_ =	shalt  }
0x78: {  	_ =	shalt  }
0x79: {  	_ =	shalt  }
0x7a: {  	_ =	shalt  }
0x7b: {  	_ =	shalt  }
0x7c: {  	_ =	shalt  }
0x7d: {  	_ =	shalt  }
0x7e: {  	_ =	shalt  }
0x7f: {  	_ =	shalt  }
0x80: {  	_ =	shalt  }
0x81: {  	_ =	shalt  }
0x82: {  	_ =	shalt  }
0x83: {  	_ =	shalt  }
0x84: {  	_ =	shalt  }
0x85: {  	_ =	shalt  }
0x86: {  	_ =	shalt  }
0x87: {  	_ =	shalt  }
.Lfunc_end0:
.L_simem_size_0:
called_computation_lowered:
.L_overlay_start_0:
0x88: {  	s0 =	sld [smem:$0x3FD9]  }
0x89: {  	s1 =	sld [smem:$0x3FFE];
	_ =	sdelay $0x3  }
0x8a: {  	s0 =	sadd.s32 s1, s0  }
0x8b: {  	[smem:$0x3FC5] =	sst s0  }
0x8c: {  	_ = 	snop  }
0x8d: {  	s0 =	sld [smem:$0x3FC9]  }
0x8e: {  	s17 =	sld [smem:$0x3FC8]  }
0x8f: {  	s2 =	sld [smem:$0x3FC7]  }
0x90: {  	s3 =	sld [smem:$0x3FD0];
	(tm) =	ssettm $0x1  }
0x91: {  	s4 =	sld [smem:$0x3FFB];
	_ =	sdelay $0x3  }
0x92: {  	_ =	strace s4  }
0x93: {  	s4 =	sld [smem:$0x3FFC];
	_ =	sdelay $0x3  }
0x94: {  	_ =	strace s4  }
0x95: {  	s4 =	sld [smem:$0x3FFD];
	_ =	sdelay $0x3  }
0x96: {  	_ =	strace s4  }
0x97: {  	_ =	strace $0x8FFFFFFF  }
0x98: {  	s18 =	sld [smem:$0x3FDB];
	_ =	sdelay $0x1  }
0x99: {  	s5 =	simm.s32 $_scs_section_size  }
0x9a: {  	s6 =	simm.s32 $_size__tile_overlayer_lowered;
	s7 =	simm.s32 $_tile_overlayer_lowered  }
0x9b: {  	s21 =	simm.s32 $0x1BFF;
	s20 =	sshll.u32 s7, $0x1;
	s4 =	sadd.s32 s5, s18  }
0x9c: {  	s8 =	simm.s32 $0x0;
	s19 =	sshll.u32 s6, $0x1;
	s6 =	sadd.s32 s20, s4  }
0x9d: {  	[timem:s8], [sflag:s21] =	dma.local [hbm:s6], s19  }
0x9e: {  	_ =	swait.ge [sflag:s21], s19  }
0x9f: {  	s5 =	ssub.s32 $0x0, s19;
	[sflag:s21] =	ssyncset.done $0x0  }
0xa0: {  	[sflag:s21] =	ssyncadd.s32 s5;
	_ =	sdelay $0x1  }
0xa1: {  	s22 =	simm.s32 $0x1B8B  }
0xa2: {  	_ =	swait.ge [sflag:s22], $0x1  }
0xa3: {  	[sflag:s22] =	ssyncset.done $0x0  }
0xa4: {  	s23 =	simm.s32 $0x1B8E;
	[sflag:s22] =	ssyncadd.s32 $0xFFFFFFFF  }
0xa5: {  	s24 =	simm.s32 $execute0_lowered;
	[smem:$0x3FD2] =	sst s23  }
0xa6: {  	s5 =	sshll.u32 s24, $0x1;
	_ =	strace $0x80000046;
	[dreg:$0x1] =	wrdreg $0xFFFFFFFF  }
0xa7: {  	s25 =	simm.s32 $_size_execute0_lowered;
	s4 =	sadd.s32 s4, s5;
	[dreg:$0x0] =	wrdreg $0x0  }
0xa8: {  	s5 =	sshll.u32 s25, $0x1;
	[dreg:$0x2] =	wrdreg s4  }
0xa9: {  	[dreg:$0x3] =	wrdreg s5  }
0xaa: {  	[dreg:$0x4] =	wrdreg $0xC0  }
0xab: {  	_ =	task [dreg:s8], $0x5FFFF  }
0xac: {  	[dreg:$0x1] =	wrdreg $0xFFFFFFFF  }
0xad: {  	[dreg:$0x0] =	wrdreg $0x60  }
0xae: {  	[dreg:$0x2] =	wrdreg s0  }
0xaf: {  	[dreg:$0x3] =	wrdreg s17  }
0xb0: {  	[dreg:$0x4] =	wrdreg s2  }
0xb1: {  	[dreg:$0x5] =	wrdreg s3  }
0xb2: {  	[dreg:$0x6] =	wrdreg $0x9  }
0xb3: {  	_ =	task.clear_ibuf [dreg:s8], $0x7FFFF;
	_ =	strace $0x90000046  }
0xb4: {  	s26 =	simm.s32 $0x9;
	_ =	strace $0x80000048  }
0xb5: {  	_ =	swait.ge [sflag:s26], $0x1  }
0xb6: {  	[sflag:s26] =	ssyncadd.s32 $0xFFFFFFFF  }
0xb7: {  	_ =	strace $0x90000048  }
0xb8: {  	_ =	sfence  }
0xb9: {  	s28 =	sld [smem:$0x0];
	_ =	sdelay $0x1  }
0xba: {  	s29 =	srdreg.scid  }
0xbb: {  	s30 =	sshll.u32 s29, $0xD;
	s31 =	sshrl.u32 s29, $0x2  }
0xbc: {  	s1 =	sand.u32 $0x1, s29;
	s2 =	sand.u32 $0x4000, s30;
	s0 =	sadd.s32 s31, s28  }
0xbd: {  	s1 =	sor.u32 s2, s1;
	s0 =	sshll.u32 s0, $0x11  }
0xbe: {  	s0 =	sor.u32 s0, s1  }
0xbf: {  	s0 =	sadd.s32 $0x8F2B, s0  }
0xc0: {  	[sflag:s0] =	ssyncadd.remote.s32 $0x1  }
0xc1: {  	_ =	sfence.sel $0xFFFF  }
0xc2: {  	[dreg:$0x0] =	wrdreg $0xFFFFFFFF;
	(pc) =	sbr.abs _section_cstart, $3  }
0xc3: {  	[dreg:$0x1] =	wrdreg $0xFFFFFFFF  }
0xc4: {  	_ =	task.clear_ibuf [dreg:s8], $0x2FFFF;
	_ =	strace $0x9FFFFFFF  }
0xc5: {  	(tm) =	ssettm $0x7FFFFFFF  }
tec
execute0_lowered:
.L_overlay_start_1:
0x0: {  	(tag) =	ssettag $0x1  }
0x1: {  	s5 =	rddreg [dreg:$0x0];
	s0 =	stileid.u32  }
0x2: {  	s6 =	rddreg [dreg:$0x1];
	s1 =	sshll.u32 s0, $0xB;
	s8 =	sshll.u32 s0, $0x7  }
0x3: {  	s7 =	rddreg [dreg:$0x2];
	s4 =	sor.u32 s8, s1  }
0x4: {  	s2 =	rddreg [dreg:$0x3];
	s3 =	simm.s32 $0x0;
	s4 =	sand.u32 $0x3C00, s4  }
0x5: {  	s9 =	simm.s32 $0x2480;
	[smem:$0x7FF] =	sst s3;
	s4 =	sshrl.u32 s4, $0x3  }
0x6: {  	s1 =	rddreg [dreg:$0x4];
	_ =	strace $0x80000047;
	s7 =	sadd.s32 s7, s4  }
0x7: {  	[tilespmem:s9], [sflag:$0x1] =	stream.linear.gather [hbm4b:s7+s3], $0x400, $0x38;
	[tilespmem:$0x2C80] =	vst v63  }
0x8: {  	s23 =	simm.s32 $0x3  }
0x9: {  	[tilespmem:s3], [sflag:$0x3] =	stream.linear.gather [hbm4b:s5+s3], $0x1, $0x38;
	[tilespmem:$0x2C80] =	vst v63  }
0xa: {  	_ =	swait.ge [sflag:s23], $0x1  }
0xb: {  	[sflag:s23] =	ssyncset.done $0x0  }
0xc: {  	[sflag:s23] =	ssyncadd.s32 $0xFFFFFFFF  }
0xd: {  	v0 =	vld [tilespmem:$0x0];
	_ =	sdelay $0x4  }
0xe: {  	(v2sf) =	vpush v0, $0x0;
	_ =	sdelay $0xe  }
0xf: {  	s24 =	spop (v2sf)  }
0x10: {  	s5 =	sadd.s32 $0xFFFFFC18, s24  }
0x11: {  	p0 =	sgt.s32 s5, $0x0  }
0x12: {  	p1 =	slt.s32 s5, $0x1;
	s5 =	simm.s32 @!p0 $0x0  }
0x13: {  	s5 =	smin.u32 s5, $0xC310  }
0x14: {  	s25 =	sand.u32 $0x7, s5  }
0x15: {  	p6 =	sne.s32 s25, $0x0  }
0x16: {  	p0 =	por !p1, !p6  }
0x17: {  	s7 =	simm.s32 $0xFFFFFFFF;
	p0 =	por !p0, !p0  }
0x18: {  	s7 =	simm.s32 @!p0 $0x0  }
0x19: {  	s28 =	simm.s32 $0x400;
	s29 =	simm.s32 $0x800;
	s7 =	sshll.u32 s7, $0x3  }
0x1a: {  	s10 =	simm.s32 $0x80;
	s30 =	simm.s32 $0x2;
	s7 =	sadd.s32 s5, s7  }
0x1b: {  	s31 =	simm.s32 $0x1;
	s11 =	simm.s32 $0x2280;
	s7 =	sand.u32 $0xFFFFFFF8, s7  }
0x1c: {  	s12 =	simm.s32 $0x2300;
	s13 =	simm.s32 $0x2380;
	p0 =	slt.s32 s7, $0xC308  }
0x1d: {  	s14 =	simm.s32 $0x2400;
	s8 =	sand.u32 $0x400, s8;
	s7 =	simm.s32 @!p0 $0xC308  }
0x1e: {  	s9 =	simm.s32 $0x2180;
	s26 =	sshll.u32 s7, $0x8;
	s5 =	ssub.s32 s5, s7  }
0x1f: {  	s7 =	simm.s32 $0x2080;
	s8 =	sor.u32 s8, s26;
	p1 =	sgt.s32 s5, $0x0  }
0x20: {  	p0 =	sgt.s32 s5, $0x1;
	s8 =	sshrl.u32 s8, $0x3;
	s7 =	simm.s32 @!p1 $0x80  }
0x21: {  	p1 =	sgt.s32 s5, $0x3;
	s6 =	sadd.s32 s6, s8;
	s8 =	simm.s32 $0x2100  }
0x22: {  	[tilespmem:s10], [sflag:$0x2] =	stream.strided.gather [hbm4b:s6+s28], $0x2400, s29, s28, $0x38;
	[tilespmem:$0x2C80] =	vst v63  }
0x23: {  	s8 =	simm.s32 @!p0 $0x100;
	p0 =	sgt.s32 s5, $0x2;
	s10 =	simm.s32 $0x2200  }
0x24: {  	_ =	swait.ge [sflag:s30], $0x2400;
	s9 =	simm.s32 @!p0 $0x180;
	p0 =	sgt.s32 s5, $0x5  }
0x25: {  	s10 =	simm.s32 @!p1 $0x200;
	p1 =	sgt.s32 s5, $0x4;
	[sflag:s30] =	ssyncset.done $0x0  }
0x26: {  	s11 =	simm.s32 @!p1 $0x280;
	p1 =	sgt.s32 s5, $0x7;
	[sflag:s30] =	ssyncadd.s32 $0xFFFFDC00  }
0x27: {  	v0 =	vmov s7;
	v1 =	vmov s8;
	s12 =	simm.s32 @!p0 $0x300;
	p0 =	sgt.s32 s5, $0x6;
	_ =	swait.ge [sflag:s31], $0x400  }
0x28: {  	v2 =	vmov s9;
	v3 =	vmov s10;
	s13 =	simm.s32 @!p0 $0x380;
	s14 =	simm.s32 @!p1 $0x400;
	v4 =	vmov s11;
	[sflag:s31] =	ssyncset.done $0x0  }
0x29: {  	s5 =	simm.s32 $0x600;
	v5 =	vmov s12;
	v6 =	vmov s13;
	v7 =	vmov s14;
	[sflag:s31] =	ssyncadd.s32 $0xFFFFFC00  }
.LBB2_1:
0x2a: {  	_ =	sdelay $0x2  }
0x2b: {  	s6 =	sshll.u32 s3, $0x4  }
0x2c: {  	v8 =	vld.idx.msk [tilespmem:v0+s6+$0x0 ss:$0x1], $0xffff  }
0x2d: {  	v9 =	vld.idx.msk [tilespmem:v1+s6+$0x0 ss:$0x1], $0xffff;
	_ =	sdelay $0x1  }
0x2e: {  	v10 =	vld.idx.msk [tilespmem:v2+s6+$0x0 ss:$0x1], $0xffff;
	_ =	sdelay $0x1  }
0x2f: {  	v11 =	vld.idx.msk [tilespmem:v3+s6+$0x0 ss:$0x1], $0xffff  }
0x30: {  	v9 =	vadd.f32 v9, v8  }
0x31: {  	v12 =	vld.idx.msk [tilespmem:v4+s6+$0x0 ss:$0x1], $0xffff  }
0x32: {  	v8 =	vmov s5;
	v9 =	vadd.f32 v10, v9  }
0x33: {  	v10 =	vld.idx.msk [tilespmem:v5+s6+$0x0 ss:$0x1], $0xffff  }
0x34: {  	v9 =	vadd.f32 v11, v9  }
0x35: {  	v11 =	vld.idx.msk [tilespmem:v6+s6+$0x0 ss:$0x1], $0xffff  }
0x36: {  	s8 =	simm.s32 $0x0;
	v13 =	vld.idx.msk [tilespmem:v7+s6+$0x0 ss:$0x1], $0xffff;
	v9 =	vadd.f32 v12, v9  }
0x37: {  	v14 =	vld.idx.msk [tilespmem:v8+s8+$0xFFFFFF00 ss:$0x1], $0xffff  }
0x38: {  	v15 =	vld.idx.msk [tilespmem:v8+s8+$0x0 ss:$0x1], $0xffff;
	v9 =	vadd.f32 v10, v9  }
0x39: {  	v12 =	vld.idx.msk [tilespmem:v8+s8+$0xFFFFFE80 ss:$0x1], $0xffff  }
0x3a: {  	v16 =	vld.idx.msk [tilespmem:v8+s8+$0x100 ss:$0x1], $0xffff;
	v9 =	vadd.f32 v11, v9  }
0x3b: {  	v10 =	vld.idx.msk [tilespmem:v8+s8+$0xFFFFFF80 ss:$0x1], $0xffff  }
0x3c: {  	v17 =	vld.idx.msk [tilespmem:v8+s8+$0x180 ss:$0x1], $0xffff;
	v9 =	vadd.f32 v13, v9  }
0x3d: {  	v11 =	vld.idx.msk [tilespmem:v8+s8+$0x80 ss:$0x1], $0xffff;
	v13 =	vimm.f32 $0.0e+00  }
0x3e: {  	v18 =	vld.idx.msk [tilespmem:v8+s8+$0x200 ss:$0x1], $0xffff;
	v13 =	vadd.f32 v14, v13;
	v19 =	vadd.f32 v12, v9  }
0x3f: {  	v9 =	vld.idx.msk [tilespmem:v8+s8+$0x280 ss:$0x1], $0xffff  }
0x40: {  	v12 =	vld.idx.msk [tilespmem:v8+s8+$0x300 ss:$0x1], $0xffff;
	v15 =	vadd.f32 v15, v13;
	v14 =	vadd.f32 v10, v19  }
0x41: {  	v13 =	vld.idx.msk [tilespmem:v8+s8+$0x400 ss:$0x1], $0xffff  }
0x42: {  	v10 =	vld.idx.msk [tilespmem:v8+s8+$0x380 ss:$0x1], $0xffff;
	v19 =	vadd.f32 v16, v15;
	v14 =	vadd.f32 v11, v14  }
0x43: {  	v15 =	vld.idx.msk [tilespmem:v8+s8+$0x500 ss:$0x1], $0xffff  }
0x44: {  	s7 =	simm.s32 $0x700;
	v11 =	vld.idx.msk [tilespmem:v8+s8+$0x480 ss:$0x1], $0xffff;
	v16 =	vadd.f32 v17, v14;
	v17 =	vadd.f32 v18, v19  }
0x45: {  	s8 =	simm.s32 $0x3800;
	v14 =	vld.idx.msk [tilespmem:v8+s7+$0xFFFFFE80 ss:$0x1], $0xffff  }
.LBB2_2:
0x46: {  	p0 =	sne.s32 s8, $0x5400;
	v18 =	vld.idx.msk [tilespmem:v8+s7+$0xFFFFFF00 ss:$0x1], $0xffff;
	v9 =	vadd.f32 v9, v16;
	v12 =	vadd.f32 v12, v17  }
0x47: {  	v16 =	vld.idx.msk [tilespmem:v8+s7+$0xFFFFFF80 ss:$0x1], $0xffff  }
0x48: {  	v17 =	vld.idx.msk [tilespmem:v8+s7+$0x0 ss:$0x1], $0xffff;
	v9 =	vadd.f32 v10, v9;
	v10 =	vadd.f32 v13, v12  }
0x49: {  	v13 =	vld.idx.msk [tilespmem:v8+s7+$0x80 ss:$0x1], $0xffff  }
0x4a: {  	v19 =	vld.idx.msk [tilespmem:v8+s7+$0x100 ss:$0x1], $0xffff;
	v9 =	vadd.f32 v11, v9;
	v10 =	vadd.f32 v15, v10  }
0x4b: {  	v15 =	vld.idx.msk [tilespmem:v8+s7+$0x180 ss:$0x1], $0xffff  }
0x4c: {  	v11 =	vadd.f32 v14, v9;
	v10 =	vadd.f32 v18, v10;
	v14 =	vld.idx.msk [tilespmem:v8+s7+$0x200 ss:$0x1], $0xffff  }
0x4d: {  	v9 =	vld.idx.msk [tilespmem:v8+s7+$0x280 ss:$0x1], $0xffff  }
0x4e: {  	v11 =	vadd.f32 v16, v11;
	v16 =	vadd.f32 v17, v10;
	v12 =	vld.idx.msk [tilespmem:v8+s7+$0x300 ss:$0x1], $0xffff  }
.Ltmp0:
0x4f: {  	v10 =	vld.idx.msk [tilespmem:v8+s7+$0x380 ss:$0x1], $0xffff;
	(pc) =	sbr.rel @p0 .LBB2_2-.Ltmp0, $4  }
0x50: {  	v17 =	vadd.f32 v13, v11;
	v18 =	vadd.f32 v19, v16;
	v13 =	vld.idx.msk [tilespmem:v8+s7+$0x400 ss:$0x1], $0xffff  }
0x51: {  	v11 =	vld.idx.msk [tilespmem:v8+s7+$0x480 ss:$0x1], $0xffff  }
0x52: {  	v16 =	vadd.f32 v15, v17;
	v17 =	vadd.f32 v14, v18;
	v15 =	vld.idx.msk [tilespmem:v8+s7+$0x500 ss:$0x1], $0xffff;
	s7 =	sshra.s32 s8, $0x2  }
0x53: {  	s8 =	sadd.s32 $0x1C00, s8;
	v14 =	vld.idx.msk [tilespmem:v8+s7+$0xFFFFFE80 ss:$0x1], $0xffff  }
0x54: {  	_ =	sdelay $0x2  }
0x55: {  	v9 =	vadd.f32 v9, v16;
	v12 =	vadd.f32 v12, v17  }
0x56: {  	v39 =	vld.idx.msk [tilespmem:v8+s7+$0xFFFFFF00 ss:$0x1], $0xffff  }
0x57: {  	v40 =	vld.idx.msk [tilespmem:v8+s7+$0xFFFFFF80 ss:$0x1], $0xffff;
	v9 =	vadd.f32 v10, v9;
	v41 =	vadd.f32 v13, v12  }
0x58: {  	v42 =	vld.idx.msk [tilespmem:v8+s7+$0x0 ss:$0x1], $0xffff  }
0x59: {  	v43 =	vld.idx.msk [tilespmem:v8+s7+$0x80 ss:$0x1], $0xffff;
	v9 =	vadd.f32 v11, v9;
	v10 =	vadd.f32 v15, v41  }
0x5a: {  	v44 =	vld.idx.msk [tilespmem:v8+s7+$0x100 ss:$0x1], $0xffff  }
0x5b: {  	v45 =	vld.idx.msk [tilespmem:v8+s7+$0x180 ss:$0x1], $0xffff;
	v9 =	vadd.f32 v14, v9;
	v10 =	vadd.f32 v39, v10  }
0x5c: {  	v46 =	vld.idx.msk [tilespmem:v8+s7+$0x200 ss:$0x1], $0xffff  }
0x5d: {  	v47 =	vld.idx.msk [tilespmem:v8+s7+$0x280 ss:$0x1], $0xffff;
	v9 =	vadd.f32 v40, v9;
	v10 =	vadd.f32 v42, v10  }
0x5e: {  	v48 =	vld.idx.msk [tilespmem:v8+s7+$0x300 ss:$0x1], $0xffff  }
0x5f: {  	v49 =	vld.idx.msk [tilespmem:v8+s7+$0x380 ss:$0x1], $0xffff;
	v9 =	vadd.f32 v43, v9;
	v10 =	vadd.f32 v44, v10  }
0x60: {  	v50 =	vld.idx.msk [tilespmem:v8+s7+$0x400 ss:$0x1], $0xffff  }
0x61: {  	v51 =	vld.idx.msk [tilespmem:v8+s7+$0x480 ss:$0x1], $0xffff;
	v9 =	vadd.f32 v45, v9;
	v10 =	vadd.f32 v46, v10  }
0x62: {  	v8 =	vld.idx.msk [tilespmem:v8+s7+$0x500 ss:$0x1], $0xffff  }
0x63: {  	v9 =	vadd.f32 v47, v9;
	v10 =	vadd.f32 v48, v10;
	_ =	sdelay $0x1  }
0x64: {  	v9 =	vadd.f32 v49, v9;
	v10 =	vadd.f32 v50, v10  }
0x65: {  	v52 =	vld [tilespmem:s6+$0x2480]  }
0x66: {  	v53 =	vld [tilespmem:s6+$0x2500];
	v9 =	vadd.f32 v51, v9;
	v8 =	vadd.f32 v8, v10  }
0x67: {  	v54 =	vld [tilespmem:s6+$0x2580]  }
0x68: {  	v55 =	vld [tilespmem:s6+$0x2600];
	v8 =	vadd.f32 v8, v9  }
0x69: {  	v56 =	vld [tilespmem:s6+$0x2680]  }
0x6a: {  	v57 =	vld [tilespmem:s6+$0x2700];
	v11 =	vmul.f32 v52, v8  }
0x6b: {  	v58 =	vld [tilespmem:s6+$0x2780];
	v10 =	vmul.f32 v53, v8  }
0x6c: {  	v60 =	vld [tilespmem:s6+$0x2800];
	v59 =	vmul.f32 v54, v8;
	[tilespmem:s6+$0x2880] =	vst v11  }
0x6d: {  	s3 =	sadd.s32 $0x1, s3;
	v9 =	vmul.f32 v55, v8;
	[tilespmem:s6+$0x2900] =	vst v10  }
0x6e: {  	p0 =	sne.s32 s3, $0x8;
	v61 =	vmul.f32 v56, v8;
	[tilespmem:s6+$0x2980] =	vst v59  }
.Ltmp1:
0x6f: {  	v62 =	vmul.f32 v57, v8;
	[tilespmem:s6+$0x2A00] =	vst v9;
	(pc) =	sbr.rel @p0 .LBB2_1-.Ltmp1, $4  }
0x70: {  	v63 =	vmul.f32 v58, v8;
	[tilespmem:s6+$0x2A80] =	vst v61  }
0x71: {  	v8 =	vmul.f32 v60, v8;
	[tilespmem:s6+$0x2B00] =	vst v62  }
0x72: {  	[tilespmem:s6+$0x2B80] =	vst v63  }
0x73: {  	s5 =	sadd.s32 $0x10, s5;
	[tilespmem:s6+$0x2C00] =	vst v8  }
0x74: {  	s2 =	sadd.s32 s2, s4  }
0x75: {  	s3 =	simm.s32 $0x0;
	s30 =	simm.s32 $0x2880;
	s31 =	simm.s32 $0x3  }
0x76: {  	[hbm4b:s2+s3] =	stream.linear.scatter [tilespmem:s30], [sflag:$0x3], $0x400, $0x38;
	[tilespmem:$0x2C80] =	vst v63  }
0x77: {  	_ =	swait.ge [sflag:s31], $0x400  }
0x78: {  	[sflag:s31] =	ssyncset.done $0x0  }
0x79: {  	[sflag:s31] =	ssyncadd.s32 $0xFFFFFC00  }
0x7a: {  	_ =	sfence.sel $0x180000  }
0x7b: {  	[bflag:$0x0] =	sbarrier.arrive $0xFFFF  }
0x7c: {  	p0 =	sne.s32 s0, $0x0;
	_ =	strace $0x90000047  }
0x7d: {  	s0 =	sadd.s32 @!p0 $0x100000, s1;
	[bflag:$0x2] =	sbarrier.arrive $0xFFFF  }
0x7e: {  	[sflag:s0] =	ssyncadd.tile.s32 @!p0 $0x1;
	_ =	shalt  }
.Lfunc_end2:
_tile_overlayer_lowered:
.L_overlay_start_2:
0x7f: {  	(tag) =	ssettag $0x2  }
0x80: {  	s0 =	rddreg [dreg:$0x0];
	s2 =	stileid.u32  }
0x81: {  	s1 =	rddreg [dreg:$0x1];
	p0 =	sne.s32 s2, $0x0  }
0x82: {  	s3 =	rddreg [dreg:$0x2];
	[bflag:$0x3] =	sbarrier.arrive $0xFFFF;
	s2 =	simm.s32 @!p0 $0x1C03  }
0x83: {  	[timem:s3], [sflag:s2] =	dma.local @!p0 [hbm:s0], s1  }
0x84: {  	s0 =	simm.s32 @!p0 $0x3  }
0x85: {  	_ =	swait.ge @!p0 [sflag:s0], s1  }
0x86: {  	s1 =	ssub.s32 @!p0 $0x0, s1;
	[sflag:s0] =	ssyncset.done @!p0 $0x0  }
0x87: {  	[sflag:s0] =	ssyncadd.s32 @!p0 s1  }
0x88: {  	[bflag:$0x3] =	sbarrier.arrive $0xFFFF  }
0x89: {  	_ =	shalt  }

</sc_bundles>
